<compile_context>
chip_gen: v7x
topology: tpu7x:2x2x1
jax: 0.10.2.dev20260603
libtpu: 0.0.44.dev20260713+nightly
codegen_flags: <defaults>
</compile_context>

<pallas_src>
import jax
import jax.numpy as jnp
from jax import lax
from jax.experimental import pallas as pl
from jax.experimental.pallas import tpu as pltpu
from jax.experimental.pallas import tpu_sc as plsc

BATCH = 128
NF = 32768
NC = 2
NS = 16
NW = NC * NS
ROWS_PER_W = BATCH // NW
CHUNK = 16384
NCHUNK = NF // CHUNK
LANES = 16
UNROLL = 8
ITERS = CHUNK // (LANES * UNROLL)

_F32_BIG = 3.4e38


def _closest_body(in_hbm, prev_hbm, out_hbm, buf0, buf1, pv_all, res_buf,
                  sem0, sem1):
    wid = lax.axis_index("s") * NC + lax.axis_index("c")

    pltpu.sync_copy(prev_hbm, pv_all)

    def start(row, c, buf, sem):
        return pltpu.async_copy(
            in_hbm.at[row, pl.ds(c * CHUNK, CHUNK)], buf, sem
        )

    start(wid * ROWS_PER_W, 0, buf0, sem0)

    def scan_chunk(buf, pv, mind, minv):
        def body(i, carry):
            acc = list(carry)
            for k in range(UNROLL):
                v = buf[pl.ds(i * (LANES * UNROLL) + k * LANES, LANES)]
                d = jnp.abs(v - pv)
                md, mv = acc[k], acc[UNROLL + k]
                pred = d < md
                acc[k] = jnp.where(pred, d, md)
                acc[UNROLL + k] = jnp.where(pred, v, mv)
            return tuple(acc)

        res = lax.fori_loop(0, ITERS, body, tuple(mind) + tuple(minv))
        return list(res[:UNROLL]), list(res[UNROLL:])

    def row_body(r, carry):
        row = wid * ROWS_PER_W + r
        pv = plsc.load_gather(pv_all, [jnp.full((LANES,), row, jnp.int32)])

        d1 = start(row, 1, buf1, sem1)
        pltpu.make_async_copy(
            in_hbm.at[row, pl.ds(0, CHUNK)], buf0, sem0
        ).wait()

        mind = [jnp.full((LANES,), _F32_BIG, jnp.float32)] * UNROLL
        minv = [jnp.zeros((LANES,), jnp.float32)] * UNROLL
        mind, minv = scan_chunk(buf0, pv, mind, minv)

        @pl.when(r < ROWS_PER_W - 1)
        def _():
            start(row + 1, 0, buf0, sem0)

        d1.wait()
        mind, minv = scan_chunk(buf1, pv, mind, minv)

        n = UNROLL
        while n > 1:
            n //= 2
            for k in range(n):
                pred = mind[k + n] < mind[k]
                mind[k] = jnp.where(pred, mind[k + n], mind[k])
                minv[k] = jnp.where(pred, minv[k + n], minv[k])
        _, vs = plsc.sort_key_val(mind[0], minv[0])
        res_buf[...] = vs
        pltpu.sync_copy(res_buf, out_hbm.at[row])
        return carry

    lax.fori_loop(0, ROWS_PER_W, row_body, jnp.int32(0))


@jax.jit
def _closest(inp, prev_flat):
    mesh = plsc.VectorSubcoreMesh(core_axis_name="c", subcore_axis_name="s")
    f = pl.kernel(
        _closest_body,
        out_type=jax.ShapeDtypeStruct((BATCH, LANES), jnp.float32),
        mesh=mesh,
        compiler_params=pltpu.CompilerParams(needs_layout_passes=False),
        scratch_types=[
            pltpu.VMEM((CHUNK,), jnp.float32),
            pltpu.VMEM((CHUNK,), jnp.float32),
            pltpu.VMEM((BATCH,), jnp.float32),
            pltpu.VMEM((LANES,), jnp.float32),
            pltpu.SemaphoreType.DMA,
            pltpu.SemaphoreType.DMA,
        ],
    )
    return f(inp, prev_flat)


def kernel(input, prev_output):
    out = _closest(input, prev_output.reshape(BATCH))
    return out[:, :1]

# --- scband reference (transcript-rebuilt; emitter-appended) ---
"""Pipeline reference for scband-batched-closest-value-30236569764059 (READ-ONLY COPY).

The authoritative reference and input builder live on the scoring server;
editing this copy changes nothing except your own understanding.
"""

import jax, jax.numpy as jnp
import numpy as np

BATCH = 128
NUM_FEATURES = 32768
INITIAL_VALUE = 0.0

def setup_inputs(seed: int = 0) -> dict:
    key = jax.random.key(seed)
    inp = jax.random.normal(key, (BATCH, NUM_FEATURES), dtype=jnp.float32)
    prev_output = jnp.full((BATCH, 1), INITIAL_VALUE, dtype=jnp.float32)
    return {"input": inp, "prev_output": prev_output}

def reference(input, prev_output):
    # diff = |input - prev_output| broadcast over feature dim
    diff = jnp.abs(input - prev_output)
    # argmin along feature dim, keepdim
    min_indices = jnp.argmin(diff, axis=1, keepdims=True)
    # gather the closest values
    closest_vals = jnp.take_along_axis(input, min_indices, axis=1)
    # note: torch module also updates self.prev_output = closest_vals.detach();
    # that stateful update is a side effect, the returned forward output is closest_vals
    return closest_vals

if __name__ == "__main__":
    import jax
    _d = setup_inputs()
    print(jax.jit(kernel)(*tuple(_d.values())))

</pallas_src>

<mosaic_0001>
#map = affine_map<(d0, d1) -> (0, 0)>
#map1 = affine_map<(d0, d1) -> (0)>
module attributes {stable_mosaic.version = 14 : i64} {
  func.func @_closest_body(%arg0: i32, %arg1: i32, %arg2: memref<128x32768xf32, #tpu.memory_space<hbm>>, %arg3: memref<128xf32, #tpu.memory_space<hbm>>, %arg4: memref<128x16xf32, #tpu.memory_space<hbm>>, %arg5: memref<16384xf32, #tpu.memory_space<vmem>>, %arg6: memref<16384xf32, #tpu.memory_space<vmem>>, %arg7: memref<128xf32, #tpu.memory_space<vmem>>, %arg8: memref<16xf32, #tpu.memory_space<vmem>>, %arg9: memref<!tpu.dma_semaphore, #tpu.memory_space<semaphore_mem>>, %arg10: memref<!tpu.dma_semaphore, #tpu.memory_space<semaphore_mem>>) attributes {dimension_semantics = [#tpu.dimension_semantics<core_parallel>, #tpu.dimension_semantics<subcore_parallel>], iteration_bounds = array<i64: 2, 16>, scalar_prefetch = 0 : i64, scratch_operands = 6 : i64, tpu.core_type = #tpu.core_type<sc_vector_subcore>, window_params = [{transform_indices = #map}, {transform_indices = #map1}, {transform_indices = #map}]} {
    %mul3A = arith.constant 2 : i32
    %mul3A_0 = arith.muli %arg1, %mul3A : i32
    %add3A = arith.addi %mul3A_0, %arg0 : i32
    "tpu.region"() ({
      %run_scoped3A = tpu.sem_alloc : memref<!tpu.dma_semaphore, #tpu.memory_space<semaphore_mem>>
      tpu.enqueue_dma source(%arg3 : memref<128xf32, #tpu.memory_space<hbm>>) target(%arg7 : memref<128xf32, #tpu.memory_space<vmem>>) target_semaphore(%run_scoped3A : memref<!tpu.dma_semaphore, #tpu.memory_space<semaphore_mem>>)
      tpu.wait_dma2 semaphore(%run_scoped3A : memref<!tpu.dma_semaphore, #tpu.memory_space<semaphore_mem>>) src(%arg3 : memref<128xf32, #tpu.memory_space<hbm>>) dst(%arg7 : memref<128xf32, #tpu.memory_space<vmem>>)
      tpu.yield
    }) : () -> ()
    %mul3A_1 = arith.constant 4 : i32
    %mul3A_2 = arith.muli %add3A, %mul3A_1 : i32
    %dma_start3A = arith.constant 0 : i32
    %dma_start3A_3 = tpu.memref_slice %arg2[%mul3A_2, %dma_start3A] : memref<128x32768xf32, #tpu.memory_space<hbm>> -> memref<1x16384xf32, #tpu.memory_space<hbm>>
    %dma_start3A_4 = tpu.memref_squeeze %dma_start3A_3 : memref<1x16384xf32, #tpu.memory_space<hbm>> -> memref<16384xf32, #tpu.memory_space<hbm>>
    %dma_start3A_5 = arith.constant 0 : i32
    %dma_start3A_6 = tpu.memref_slice %arg2[%mul3A_2, %dma_start3A_5] : memref<128x32768xf32, #tpu.memory_space<hbm>> -> memref<1x16384xf32, #tpu.memory_space<hbm>>
    %dma_start3A_7 = tpu.memref_squeeze %dma_start3A_6 : memref<1x16384xf32, #tpu.memory_space<hbm>> -> memref<16384xf32, #tpu.memory_space<hbm>>
    tpu.enqueue_dma source(%dma_start3A_7 : memref<16384xf32, #tpu.memory_space<hbm>>) target(%arg5 : memref<16384xf32, #tpu.memory_space<vmem>>) target_semaphore(%arg9 : memref<!tpu.dma_semaphore, #tpu.memory_space<semaphore_mem>>)
    %scan3A = arith.constant 0 : i32
    %scan3A_8 = arith.constant 0 : i32
    %scan3A_9 = arith.constant 4 : i32
    %scan3A_10 = arith.addi %scan3A_8, %scan3A_9 : i32
    %scan3A_11 = arith.constant 1 : i32
    scf.for %scan3A_13 = %scan3A_8 to %scan3A_10 step %scan3A_11  : i32 {
      %mul3A_14 = arith.constant 4 : i32
      %mul3A_15 = arith.muli %add3A, %mul3A_14 : i32
      %add3A_16 = arith.addi %mul3A_15, %scan3A_13 : i32
      %broadcast_in_dim3A = vector.broadcast %add3A_16 : i32 to vector<16xi32>
      %gather3A = tpu.vector_load_idx %arg7[%broadcast_in_dim3A] : memref<128xf32, #tpu.memory_space<vmem>>[vector<16xi32>], vector<16xf32>,
      %dma_start3A_17 = arith.constant 16384 : i32
      %dma_start3A_18 = tpu.memref_slice %arg2[%add3A_16, %dma_start3A_17] : memref<128x32768xf32, #tpu.memory_space<hbm>> -> memref<1x16384xf32, #tpu.memory_space<hbm>>
      %dma_start3A_19 = tpu.memref_squeeze %dma_start3A_18 : memref<1x16384xf32, #tpu.memory_space<hbm>> -> memref<16384xf32, #tpu.memory_space<hbm>>
      %dma_start3A_20 = arith.constant 16384 : i32
      %dma_start3A_21 = tpu.memref_slice %arg2[%add3A_16, %dma_start3A_20] : memref<128x32768xf32, #tpu.memory_space<hbm>> -> memref<1x16384xf32, #tpu.memory_space<hbm>>
      %dma_start3A_22 = tpu.memref_squeeze %dma_start3A_21 : memref<1x16384xf32, #tpu.memory_space<hbm>> -> memref<16384xf32, #tpu.memory_space<hbm>>
      tpu.enqueue_dma source(%dma_start3A_22 : memref<16384xf32, #tpu.memory_space<hbm>>) target(%arg6 : memref<16384xf32, #tpu.memory_space<vmem>>) target_semaphore(%arg10 : memref<!tpu.dma_semaphore, #tpu.memory_space<semaphore_mem>>)
      %dma_wait3A = arith.constant 0 : i32
      %dma_wait3A_23 = tpu.memref_slice %arg2[%add3A_16, %dma_wait3A] : memref<128x32768xf32, #tpu.memory_space<hbm>> -> memref<1x16384xf32, #tpu.memory_space<hbm>>
      %dma_wait3A_24 = tpu.memref_squeeze %dma_wait3A_23 : memref<1x16384xf32, #tpu.memory_space<hbm>> -> memref<16384xf32, #tpu.memory_space<hbm>>
      %dma_wait3A_25 = arith.constant 0 : i32
      %dma_wait3A_26 = tpu.memref_slice %arg2[%add3A_16, %dma_wait3A_25] : memref<128x32768xf32, #tpu.memory_space<hbm>> -> memref<1x16384xf32, #tpu.memory_space<hbm>>
      %dma_wait3A_27 = tpu.memref_squeeze %dma_wait3A_26 : memref<1x16384xf32, #tpu.memory_space<hbm>> -> memref<16384xf32, #tpu.memory_space<hbm>>
      tpu.wait_dma2 semaphore(%arg9 : memref<!tpu.dma_semaphore, #tpu.memory_space<semaphore_mem>>) src(%dma_wait3A_27 : memref<16384xf32, #tpu.memory_space<hbm>>) dst(%arg5 : memref<16384xf32, #tpu.memory_space<vmem>>)
      %broadcast_in_dim3A_28 = arith.constant 3.400000e+38 : f32
      %broadcast_in_dim3A_29 = vector.broadcast %broadcast_in_dim3A_28 : f32 to vector<16xf32>
      %broadcast_in_dim3A_30 = arith.constant 0.000000e+00 : f32
      %broadcast_in_dim3A_31 = vector.broadcast %broadcast_in_dim3A_30 : f32 to vector<16xf32>
      %scan3A_32 = arith.constant 0 : i32
      %scan3A_33 = arith.constant 128 : i32
      %scan3A_34 = arith.addi %scan3A_32, %scan3A_33 : i32
      %scan3A_35 = arith.constant 1 : i32
      %scan3A_36:16 = scf.for %scan3A_76 = %scan3A_32 to %scan3A_34 step %scan3A_35 iter_args(%scan3A_77 = %broadcast_in_dim3A_29, %scan3A_78 = %broadcast_in_dim3A_29, %scan3A_79 = %broadcast_in_dim3A_29, %scan3A_80 = %broadcast_in_dim3A_29, %scan3A_81 = %broadcast_in_dim3A_29, %scan3A_82 = %broadcast_in_dim3A_29, %scan3A_83 = %broadcast_in_dim3A_29, %scan3A_84 = %broadcast_in_dim3A_29, %scan3A_85 = %broadcast_in_dim3A_31, %scan3A_86 = %broadcast_in_dim3A_31, %scan3A_87 = %broadcast_in_dim3A_31, %scan3A_88 = %broadcast_in_dim3A_31, %scan3A_89 = %broadcast_in_dim3A_31, %scan3A_90 = %broadcast_in_dim3A_31, %scan3A_91 = %broadcast_in_dim3A_31, %scan3A_92 = %broadcast_in_dim3A_31) -> (vector<16xf32>, vector<16xf32>, vector<16xf32>, vector<16xf32>, vector<16xf32>, vector<16xf32>, vector<16xf32>, vector<16xf32>, vector<16xf32>, vector<16xf32>, vector<16xf32>, vector<16xf32>, vector<16xf32>, vector<16xf32>, vector<16xf32>, vector<16xf32>)  : i32 {
        %mul3A_93 = arith.constant 128 : i32
        %mul3A_94 = arith.muli %scan3A_76, %mul3A_93 : i32
        %add3A_95 = arith.constant 0 : i32
        %add3A_96 = arith.addi %mul3A_94, %add3A_95 : i32
        %get3A = arith.index_cast %add3A_96 : i32 to index
        %get3A_97 = tpu.vector_load %arg5[%get3A] {strides = array<i32>} : memref<16384xf32, #tpu.memory_space<vmem>>, vector<16xf32>,
        %sub3A = arith.subf %get3A_97, %gather3A : vector<16xf32>
        %abs3A = math.absf %sub3A : vector<16xf32>
        %lt3A_98 = arith.cmpf olt, %abs3A, %scan3A_77 : vector<16xf32>
        %select_n3A_99 = arith.select %lt3A_98, %abs3A, %scan3A_77 : vector<16xi1>, vector<16xf32>
        %select_n3A_100 = arith.select %lt3A_98, %get3A_97, %scan3A_85 : vector<16xi1>, vector<16xf32>
        %mul3A_101 = arith.constant 128 : i32
        %mul3A_102 = arith.muli %scan3A_76, %mul3A_101 : i32
        %add3A_103 = arith.constant 16 : i32
        %add3A_104 = arith.addi %mul3A_102, %add3A_103 : i32
        %get3A_105 = arith.index_cast %add3A_104 : i32 to index
        %get3A_106 = tpu.vector_load %arg5[%get3A_105] {strides = array<i32>} : memref<16384xf32, #tpu.memory_space<vmem>>, vector<16xf32>,
        %sub3A_107 = arith.subf %get3A_106, %gather3A : vector<16xf32>
        %abs3A_108 = math.absf %sub3A_107 : vector<16xf32>
        %lt3A_109 = arith.cmpf olt, %abs3A_108, %scan3A_78 : vector<16xf32>
        %select_n3A_110 = arith.select %lt3A_109, %abs3A_108, %scan3A_78 : vector<16xi1>, vector<16xf32>
        %select_n3A_111 = arith.select %lt3A_109, %get3A_106, %scan3A_86 : vector<16xi1>, vector<16xf32>
        %mul3A_112 = arith.constant 128 : i32
        %mul3A_113 = arith.muli %scan3A_76, %mul3A_112 : i32
        %add3A_114 = arith.constant 32 : i32
        %add3A_115 = arith.addi %mul3A_113, %add3A_114 : i32
        %get3A_116 = arith.index_cast %add3A_115 : i32 to index
        %get3A_117 = tpu.vector_load %arg5[%get3A_116] {strides = array<i32>} : memref<16384xf32, #tpu.memory_space<vmem>>, vector<16xf32>,
        %sub3A_118 = arith.subf %get3A_117, %gather3A : vector<16xf32>
        %abs3A_119 = math.absf %sub3A_118 : vector<16xf32>
        %lt3A_120 = arith.cmpf olt, %abs3A_119, %scan3A_79 : vector<16xf32>
        %select_n3A_121 = arith.select %lt3A_120, %abs3A_119, %scan3A_79 : vector<16xi1>, vector<16xf32>
        %select_n3A_122 = arith.select %lt3A_120, %get3A_117, %scan3A_87 : vector<16xi1>, vector<16xf32>
        %mul3A_123 = arith.constant 128 : i32
        %mul3A_124 = arith.muli %scan3A_76, %mul3A_123 : i32
        %add3A_125 = arith.constant 48 : i32
        %add3A_126 = arith.addi %mul3A_124, %add3A_125 : i32
        %get3A_127 = arith.index_cast %add3A_126 : i32 to index
        %get3A_128 = tpu.vector_load %arg5[%get3A_127] {strides = array<i32>} : memref<16384xf32, #tpu.memory_space<vmem>>, vector<16xf32>,
        %sub3A_129 = arith.subf %get3A_128, %gather3A : vector<16xf32>
        %abs3A_130 = math.absf %sub3A_129 : vector<16xf32>
        %lt3A_131 = arith.cmpf olt, %abs3A_130, %scan3A_80 : vector<16xf32>
        %select_n3A_132 = arith.select %lt3A_131, %abs3A_130, %scan3A_80 : vector<16xi1>, vector<16xf32>
        %select_n3A_133 = arith.select %lt3A_131, %get3A_128, %scan3A_88 : vector<16xi1>, vector<16xf32>
        %mul3A_134 = arith.constant 128 : i32
        %mul3A_135 = arith.muli %scan3A_76, %mul3A_134 : i32
        %add3A_136 = arith.constant 64 : i32
        %add3A_137 = arith.addi %mul3A_135, %add3A_136 : i32
        %get3A_138 = arith.index_cast %add3A_137 : i32 to index
        %get3A_139 = tpu.vector_load %arg5[%get3A_138] {strides = array<i32>} : memref<16384xf32, #tpu.memory_space<vmem>>, vector<16xf32>,
        %sub3A_140 = arith.subf %get3A_139, %gather3A : vector<16xf32>
        %abs3A_141 = math.absf %sub3A_140 : vector<16xf32>
        %lt3A_142 = arith.cmpf olt, %abs3A_141, %scan3A_81 : vector<16xf32>
        %select_n3A_143 = arith.select %lt3A_142, %abs3A_141, %scan3A_81 : vector<16xi1>, vector<16xf32>
        %select_n3A_144 = arith.select %lt3A_142, %get3A_139, %scan3A_89 : vector<16xi1>, vector<16xf32>
        %mul3A_145 = arith.constant 128 : i32
        %mul3A_146 = arith.muli %scan3A_76, %mul3A_145 : i32
        %add3A_147 = arith.constant 80 : i32
        %add3A_148 = arith.addi %mul3A_146, %add3A_147 : i32
        %get3A_149 = arith.index_cast %add3A_148 : i32 to index
        %get3A_150 = tpu.vector_load %arg5[%get3A_149] {strides = array<i32>} : memref<16384xf32, #tpu.memory_space<vmem>>, vector<16xf32>,
        %sub3A_151 = arith.subf %get3A_150, %gather3A : vector<16xf32>
        %abs3A_152 = math.absf %sub3A_151 : vector<16xf32>
        %lt3A_153 = arith.cmpf olt, %abs3A_152, %scan3A_82 : vector<16xf32>
        %select_n3A_154 = arith.select %lt3A_153, %abs3A_152, %scan3A_82 : vector<16xi1>, vector<16xf32>
        %select_n3A_155 = arith.select %lt3A_153, %get3A_150, %scan3A_90 : vector<16xi1>, vector<16xf32>
        %mul3A_156 = arith.constant 128 : i32
        %mul3A_157 = arith.muli %scan3A_76, %mul3A_156 : i32
        %add3A_158 = arith.constant 96 : i32
        %add3A_159 = arith.addi %mul3A_157, %add3A_158 : i32
        %get3A_160 = arith.index_cast %add3A_159 : i32 to index
        %get3A_161 = tpu.vector_load %arg5[%get3A_160] {strides = array<i32>} : memref<16384xf32, #tpu.memory_space<vmem>>, vector<16xf32>,
        %sub3A_162 = arith.subf %get3A_161, %gather3A : vector<16xf32>
        %abs3A_163 = math.absf %sub3A_162 : vector<16xf32>
        %lt3A_164 = arith.cmpf olt, %abs3A_163, %scan3A_83 : vector<16xf32>
        %select_n3A_165 = arith.select %lt3A_164, %abs3A_163, %scan3A_83 : vector<16xi1>, vector<16xf32>
        %select_n3A_166 = arith.select %lt3A_164, %get3A_161, %scan3A_91 : vector<16xi1>, vector<16xf32>
        %mul3A_167 = arith.constant 128 : i32
        %mul3A_168 = arith.muli %scan3A_76, %mul3A_167 : i32
        %add3A_169 = arith.constant 112 : i32
        %add3A_170 = arith.addi %mul3A_168, %add3A_169 : i32
        %get3A_171 = arith.index_cast %add3A_170 : i32 to index
        %get3A_172 = tpu.vector_load %arg5[%get3A_171] {strides = array<i32>} : memref<16384xf32, #tpu.memory_space<vmem>>, vector<16xf32>,
        %sub3A_173 = arith.subf %get3A_172, %gather3A : vector<16xf32>
        %abs3A_174 = math.absf %sub3A_173 : vector<16xf32>
        %lt3A_175 = arith.cmpf olt, %abs3A_174, %scan3A_84 : vector<16xf32>
        %select_n3A_176 = arith.select %lt3A_175, %abs3A_174, %scan3A_84 : vector<16xi1>, vector<16xf32>
        %select_n3A_177 = arith.select %lt3A_175, %get3A_172, %scan3A_92 : vector<16xi1>, vector<16xf32>
        scf.yield %select_n3A_99, %select_n3A_110, %select_n3A_121, %select_n3A_132, %select_n3A_143, %select_n3A_154, %select_n3A_165, %select_n3A_176, %select_n3A_100, %select_n3A_111, %select_n3A_122, %select_n3A_133, %select_n3A_144, %select_n3A_155, %select_n3A_166, %select_n3A_177 : vector<16xf32>, vector<16xf32>, vector<16xf32>, vector<16xf32>, vector<16xf32>, vector<16xf32>, vector<16xf32>, vector<16xf32>, vector<16xf32>, vector<16xf32>, vector<16xf32>, vector<16xf32>, vector<16xf32>, vector<16xf32>, vector<16xf32>, vector<16xf32>
      }
      %scan3A_37 = arith.constant 128 : i32
      %lt3A = arith.constant 3 : i32
      %lt3A_38 = arith.cmpi slt, %scan3A_13, %lt3A : i32
      %convert_element_type3A = arith.extui %lt3A_38 : i1 to i32
      %cond3A = arith.constant 0 : i32
      %cond3A_39 = arith.cmpi ne, %convert_element_type3A, %cond3A : i32
      scf.if %cond3A_39 {
        %add3A_76 = arith.constant 1 : i32
        %add3A_77 = arith.addi %add3A_16, %add3A_76 : i32
        %dma_start3A_78 = arith.constant 0 : i32
        %dma_start3A_79 = tpu.memref_slice %arg2[%add3A_77, %dma_start3A_78] : memref<128x32768xf32, #tpu.memory_space<hbm>> -> memref<1x16384xf32, #tpu.memory_space<hbm>>
        %dma_start3A_80 = tpu.memref_squeeze %dma_start3A_79 : memref<1x16384xf32, #tpu.memory_space<hbm>> -> memref<16384xf32, #tpu.memory_space<hbm>>
        %dma_start3A_81 = arith.constant 0 : i32
        %dma_start3A_82 = tpu.memref_slice %arg2[%add3A_77, %dma_start3A_81] : memref<128x32768xf32, #tpu.memory_space<hbm>> -> memref<1x16384xf32, #tpu.memory_space<hbm>>
        %dma_start3A_83 = tpu.memref_squeeze %dma_start3A_82 : memref<1x16384xf32, #tpu.memory_space<hbm>> -> memref<16384xf32, #tpu.memory_space<hbm>>
        tpu.enqueue_dma source(%dma_start3A_83 : memref<16384xf32, #tpu.memory_space<hbm>>) target(%arg5 : memref<16384xf32, #tpu.memory_space<vmem>>) target_semaphore(%arg9 : memref<!tpu.dma_semaphore, #tpu.memory_space<semaphore_mem>>)
      } else {
      }
      %dma_wait3A_40 = arith.constant 16384 : i32
      %dma_wait3A_41 = tpu.memref_slice %arg2[%add3A_16, %dma_wait3A_40] : memref<128x32768xf32, #tpu.memory_space<hbm>> -> memref<1x16384xf32, #tpu.memory_space<hbm>>
      %dma_wait3A_42 = tpu.memref_squeeze %dma_wait3A_41 : memref<1x16384xf32, #tpu.memory_space<hbm>> -> memref<16384xf32, #tpu.memory_space<hbm>>
      %dma_wait3A_43 = arith.constant 16384 : i32
      %dma_wait3A_44 = tpu.memref_slice %arg2[%add3A_16, %dma_wait3A_43] : memref<128x32768xf32, #tpu.memory_space<hbm>> -> memref<1x16384xf32, #tpu.memory_space<hbm>>
      %dma_wait3A_45 = tpu.memref_squeeze %dma_wait3A_44 : memref<1x16384xf32, #tpu.memory_space<hbm>> -> memref<16384xf32, #tpu.memory_space<hbm>>
      tpu.wait_dma2 semaphore(%arg10 : memref<!tpu.dma_semaphore, #tpu.memory_space<semaphore_mem>>) src(%dma_wait3A_45 : memref<16384xf32, #tpu.memory_space<hbm>>) dst(%arg6 : memref<16384xf32, #tpu.memory_space<vmem>>)
      %scan3A_46 = arith.constant 0 : i32
      %scan3A_47 = arith.constant 128 : i32
      %scan3A_48 = arith.addi %scan3A_46, %scan3A_47 : i32
      %scan3A_49 = arith.constant 1 : i32
      %scan3A_50:16 = scf.for %scan3A_76 = %scan3A_46 to %scan3A_48 step %scan3A_49 iter_args(%scan3A_77 = %scan3A_36#0, %scan3A_78 = %scan3A_36#1, %scan3A_79 = %scan3A_36#2, %scan3A_80 = %scan3A_36#3, %scan3A_81 = %scan3A_36#4, %scan3A_82 = %scan3A_36#5, %scan3A_83 = %scan3A_36#6, %scan3A_84 = %scan3A_36#7, %scan3A_85 = %scan3A_36#8, %scan3A_86 = %scan3A_36#9, %scan3A_87 = %scan3A_36#10, %scan3A_88 = %scan3A_36#11, %scan3A_89 = %scan3A_36#12, %scan3A_90 = %scan3A_36#13, %scan3A_91 = %scan3A_36#14, %scan3A_92 = %scan3A_36#15) -> (vector<16xf32>, vector<16xf32>, vector<16xf32>, vector<16xf32>, vector<16xf32>, vector<16xf32>, vector<16xf32>, vector<16xf32>, vector<16xf32>, vector<16xf32>, vector<16xf32>, vector<16xf32>, vector<16xf32>, vector<16xf32>, vector<16xf32>, vector<16xf32>)  : i32 {
        %mul3A_93 = arith.constant 128 : i32
        %mul3A_94 = arith.muli %scan3A_76, %mul3A_93 : i32
        %add3A_95 = arith.constant 0 : i32
        %add3A_96 = arith.addi %mul3A_94, %add3A_95 : i32
        %get3A = arith.index_cast %add3A_96 : i32 to index
        %get3A_97 = tpu.vector_load %arg6[%get3A] {strides = array<i32>} : memref<16384xf32, #tpu.memory_space<vmem>>, vector<16xf32>,
        %sub3A = arith.subf %get3A_97, %gather3A : vector<16xf32>
        %abs3A = math.absf %sub3A : vector<16xf32>
        %lt3A_98 = arith.cmpf olt, %abs3A, %scan3A_77 : vector<16xf32>
        %select_n3A_99 = arith.select %lt3A_98, %abs3A, %scan3A_77 : vector<16xi1>, vector<16xf32>
        %select_n3A_100 = arith.select %lt3A_98, %get3A_97, %scan3A_85 : vector<16xi1>, vector<16xf32>
        %mul3A_101 = arith.constant 128 : i32
        %mul3A_102 = arith.muli %scan3A_76, %mul3A_101 : i32
        %add3A_103 = arith.constant 16 : i32
        %add3A_104 = arith.addi %mul3A_102, %add3A_103 : i32
        %get3A_105 = arith.index_cast %add3A_104 : i32 to index
        %get3A_106 = tpu.vector_load %arg6[%get3A_105] {strides = array<i32>} : memref<16384xf32, #tpu.memory_space<vmem>>, vector<16xf32>,
        %sub3A_107 = arith.subf %get3A_106, %gather3A : vector<16xf32>
        %abs3A_108 = math.absf %sub3A_107 : vector<16xf32>
        %lt3A_109 = arith.cmpf olt, %abs3A_108, %scan3A_78 : vector<16xf32>
        %select_n3A_110 = arith.select %lt3A_109, %abs3A_108, %scan3A_78 : vector<16xi1>, vector<16xf32>
        %select_n3A_111 = arith.select %lt3A_109, %get3A_106, %scan3A_86 : vector<16xi1>, vector<16xf32>
        %mul3A_112 = arith.constant 128 : i32
        %mul3A_113 = arith.muli %scan3A_76, %mul3A_112 : i32
        %add3A_114 = arith.constant 32 : i32
        %add3A_115 = arith.addi %mul3A_113, %add3A_114 : i32
        %get3A_116 = arith.index_cast %add3A_115 : i32 to index
        %get3A_117 = tpu.vector_load %arg6[%get3A_116] {strides = array<i32>} : memref<16384xf32, #tpu.memory_space<vmem>>, vector<16xf32>,
        %sub3A_118 = arith.subf %get3A_117, %gather3A : vector<16xf32>
        %abs3A_119 = math.absf %sub3A_118 : vector<16xf32>
        %lt3A_120 = arith.cmpf olt, %abs3A_119, %scan3A_79 : vector<16xf32>
        %select_n3A_121 = arith.select %lt3A_120, %abs3A_119, %scan3A_79 : vector<16xi1>, vector<16xf32>
        %select_n3A_122 = arith.select %lt3A_120, %get3A_117, %scan3A_87 : vector<16xi1>, vector<16xf32>
        %mul3A_123 = arith.constant 128 : i32
        %mul3A_124 = arith.muli %scan3A_76, %mul3A_123 : i32
        %add3A_125 = arith.constant 48 : i32
        %add3A_126 = arith.addi %mul3A_124, %add3A_125 : i32
        %get3A_127 = arith.index_cast %add3A_126 : i32 to index
        %get3A_128 = tpu.vector_load %arg6[%get3A_127] {strides = array<i32>} : memref<16384xf32, #tpu.memory_space<vmem>>, vector<16xf32>,
        %sub3A_129 = arith.subf %get3A_128, %gather3A : vector<16xf32>
        %abs3A_130 = math.absf %sub3A_129 : vector<16xf32>
        %lt3A_131 = arith.cmpf olt, %abs3A_130, %scan3A_80 : vector<16xf32>
        %select_n3A_132 = arith.select %lt3A_131, %abs3A_130, %scan3A_80 : vector<16xi1>, vector<16xf32>
        %select_n3A_133 = arith.select %lt3A_131, %get3A_128, %scan3A_88 : vector<16xi1>, vector<16xf32>
        %mul3A_134 = arith.constant 128 : i32
        %mul3A_135 = arith.muli %scan3A_76, %mul3A_134 : i32
        %add3A_136 = arith.constant 64 : i32
        %add3A_137 = arith.addi %mul3A_135, %add3A_136 : i32
        %get3A_138 = arith.index_cast %add3A_137 : i32 to index
        %get3A_139 = tpu.vector_load %arg6[%get3A_138] {strides = array<i32>} : memref<16384xf32, #tpu.memory_space<vmem>>, vector<16xf32>,
        %sub3A_140 = arith.subf %get3A_139, %gather3A : vector<16xf32>
        %abs3A_141 = math.absf %sub3A_140 : vector<16xf32>
        %lt3A_142 = arith.cmpf olt, %abs3A_141, %scan3A_81 : vector<16xf32>
        %select_n3A_143 = arith.select %lt3A_142, %abs3A_141, %scan3A_81 : vector<16xi1>, vector<16xf32>
        %select_n3A_144 = arith.select %lt3A_142, %get3A_139, %scan3A_89 : vector<16xi1>, vector<16xf32>
        %mul3A_145 = arith.constant 128 : i32
        %mul3A_146 = arith.muli %scan3A_76, %mul3A_145 : i32
        %add3A_147 = arith.constant 80 : i32
        %add3A_148 = arith.addi %mul3A_146, %add3A_147 : i32
        %get3A_149 = arith.index_cast %add3A_148 : i32 to index
        %get3A_150 = tpu.vector_load %arg6[%get3A_149] {strides = array<i32>} : memref<16384xf32, #tpu.memory_space<vmem>>, vector<16xf32>,
        %sub3A_151 = arith.subf %get3A_150, %gather3A : vector<16xf32>
        %abs3A_152 = math.absf %sub3A_151 : vector<16xf32>
        %lt3A_153 = arith.cmpf olt, %abs3A_152, %scan3A_82 : vector<16xf32>
        %select_n3A_154 = arith.select %lt3A_153, %abs3A_152, %scan3A_82 : vector<16xi1>, vector<16xf32>
        %select_n3A_155 = arith.select %lt3A_153, %get3A_150, %scan3A_90 : vector<16xi1>, vector<16xf32>
        %mul3A_156 = arith.constant 128 : i32
        %mul3A_157 = arith.muli %scan3A_76, %mul3A_156 : i32
        %add3A_158 = arith.constant 96 : i32
        %add3A_159 = arith.addi %mul3A_157, %add3A_158 : i32
        %get3A_160 = arith.index_cast %add3A_159 : i32 to index
        %get3A_161 = tpu.vector_load %arg6[%get3A_160] {strides = array<i32>} : memref<16384xf32, #tpu.memory_space<vmem>>, vector<16xf32>,
        %sub3A_162 = arith.subf %get3A_161, %gather3A : vector<16xf32>
        %abs3A_163 = math.absf %sub3A_162 : vector<16xf32>
        %lt3A_164 = arith.cmpf olt, %abs3A_163, %scan3A_83 : vector<16xf32>
        %select_n3A_165 = arith.select %lt3A_164, %abs3A_163, %scan3A_83 : vector<16xi1>, vector<16xf32>
        %select_n3A_166 = arith.select %lt3A_164, %get3A_161, %scan3A_91 : vector<16xi1>, vector<16xf32>
        %mul3A_167 = arith.constant 128 : i32
        %mul3A_168 = arith.muli %scan3A_76, %mul3A_167 : i32
        %add3A_169 = arith.constant 112 : i32
        %add3A_170 = arith.addi %mul3A_168, %add3A_169 : i32
        %get3A_171 = arith.index_cast %add3A_170 : i32 to index
        %get3A_172 = tpu.vector_load %arg6[%get3A_171] {strides = array<i32>} : memref<16384xf32, #tpu.memory_space<vmem>>, vector<16xf32>,
        %sub3A_173 = arith.subf %get3A_172, %gather3A : vector<16xf32>
        %abs3A_174 = math.absf %sub3A_173 : vector<16xf32>
        %lt3A_175 = arith.cmpf olt, %abs3A_174, %scan3A_84 : vector<16xf32>
        %select_n3A_176 = arith.select %lt3A_175, %abs3A_174, %scan3A_84 : vector<16xi1>, vector<16xf32>
        %select_n3A_177 = arith.select %lt3A_175, %get3A_172, %scan3A_92 : vector<16xi1>, vector<16xf32>
        scf.yield %select_n3A_99, %select_n3A_110, %select_n3A_121, %select_n3A_132, %select_n3A_143, %select_n3A_154, %select_n3A_165, %select_n3A_176, %select_n3A_100, %select_n3A_111, %select_n3A_122, %select_n3A_133, %select_n3A_144, %select_n3A_155, %select_n3A_166, %select_n3A_177 : vector<16xf32>, vector<16xf32>, vector<16xf32>, vector<16xf32>, vector<16xf32>, vector<16xf32>, vector<16xf32>, vector<16xf32>, vector<16xf32>, vector<16xf32>, vector<16xf32>, vector<16xf32>, vector<16xf32>, vector<16xf32>, vector<16xf32>, vector<16xf32>
      }
      %scan3A_51 = arith.constant 128 : i32
      %lt3A_52 = arith.cmpf olt, %scan3A_50#4, %scan3A_50#0 : vector<16xf32>
      %select_n3A = arith.select %lt3A_52, %scan3A_50#4, %scan3A_50#0 : vector<16xi1>, vector<16xf32>
      %select_n3A_53 = arith.select %lt3A_52, %scan3A_50#12, %scan3A_50#8 : vector<16xi1>, vector<16xf32>
      %lt3A_54 = arith.cmpf olt, %scan3A_50#5, %scan3A_50#1 : vector<16xf32>
      %select_n3A_55 = arith.select %lt3A_54, %scan3A_50#5, %scan3A_50#1 : vector<16xi1>, vector<16xf32>
      %select_n3A_56 = arith.select %lt3A_54, %scan3A_50#13, %scan3A_50#9 : vector<16xi1>, vector<16xf32>
      %lt3A_57 = arith.cmpf olt, %scan3A_50#6, %scan3A_50#2 : vector<16xf32>
      %select_n3A_58 = arith.select %lt3A_57, %scan3A_50#6, %scan3A_50#2 : vector<16xi1>, vector<16xf32>
      %select_n3A_59 = arith.select %lt3A_57, %scan3A_50#14, %scan3A_50#10 : vector<16xi1>, vector<16xf32>
      %lt3A_60 = arith.cmpf olt, %scan3A_50#7, %scan3A_50#3 : vector<16xf32>
      %select_n3A_61 = arith.select %lt3A_60, %scan3A_50#7, %scan3A_50#3 : vector<16xi1>, vector<16xf32>
      %select_n3A_62 = arith.select %lt3A_60, %scan3A_50#15, %scan3A_50#11 : vector<16xi1>, vector<16xf32>
      %lt3A_63 = arith.cmpf olt, %select_n3A_58, %select_n3A : vector<16xf32>
      %select_n3A_64 = arith.select %lt3A_63, %select_n3A_58, %select_n3A : vector<16xi1>, vector<16xf32>
      %select_n3A_65 = arith.select %lt3A_63, %select_n3A_59, %select_n3A_53 : vector<16xi1>, vector<16xf32>
      %lt3A_66 = arith.cmpf olt, %select_n3A_61, %select_n3A_55 : vector<16xf32>
      %select_n3A_67 = arith.select %lt3A_66, %select_n3A_61, %select_n3A_55 : vector<16xi1>, vector<16xf32>
      %select_n3A_68 = arith.select %lt3A_66, %select_n3A_62, %select_n3A_56 : vector<16xi1>, vector<16xf32>
      %lt3A_69 = arith.cmpf olt, %select_n3A_67, %select_n3A_64 : vector<16xf32>
      %select_n3A_70 = arith.select %lt3A_69, %select_n3A_67, %select_n3A_64 : vector<16xi1>, vector<16xf32>
      %select_n3A_71 = arith.select %lt3A_69, %select_n3A_68, %select_n3A_65 : vector<16xi1>, vector<16xf32>
      %masked_sort3A = arith.constant dense<true> : vector<16xi1>
      %masked_sort3A_72, %masked_sort3A_73, %masked_sort3A_74 = tpu.sort %select_n3A_70, %select_n3A_71 masked %masked_sort3A : (vector<16xf32>, vector<16xf32>, vector<16xi1>) -> (vector<16xi1>, vector<16xf32>, vector<16xf32>)
      %swap3A = arith.constant 0 : index
      %swap3A_75 = tpu.vector_load %arg8[%swap3A] {strides = array<i32>} : memref<16xf32, #tpu.memory_space<vmem>>, vector<16xf32>,
      tpu.vector_store %arg8[%swap3A], %masked_sort3A_74 {strides = array<i32>} : memref<16xf32, #tpu.memory_space<vmem>>, vector<16xf32>,
      "tpu.region"() ({
        %run_scoped3A = tpu.sem_alloc : memref<!tpu.dma_semaphore, #tpu.memory_space<semaphore_mem>>
        %dma_start3A_76 = arith.constant 0 : i32
        %dma_start3A_77 = tpu.memref_slice %arg4[%add3A_16, %dma_start3A_76] : memref<128x16xf32, #tpu.memory_space<hbm>> -> memref<1x16xf32, #tpu.memory_space<hbm>>
        %dma_start3A_78 = tpu.memref_squeeze %dma_start3A_77 : memref<1x16xf32, #tpu.memory_space<hbm>> -> memref<16xf32, #tpu.memory_space<hbm>>
        %dma_start3A_79 = arith.constant 0 : i32
        %dma_start3A_80 = tpu.memref_slice %arg4[%add3A_16, %dma_start3A_79] : memref<128x16xf32, #tpu.memory_space<hbm>> -> memref<1x16xf32, #tpu.memory_space<hbm>>
        %dma_start3A_81 = tpu.memref_squeeze %dma_start3A_80 : memref<1x16xf32, #tpu.memory_space<hbm>> -> memref<16xf32, #tpu.memory_space<hbm>>
        tpu.enqueue_dma source(%arg8 : memref<16xf32, #tpu.memory_space<vmem>>) target(%dma_start3A_81 : memref<16xf32, #tpu.memory_space<hbm>>) target_semaphore(%run_scoped3A : memref<!tpu.dma_semaphore, #tpu.memory_space<semaphore_mem>>)
        %dma_wait3A_82 = arith.constant 0 : i32
        %dma_wait3A_83 = tpu.memref_slice %arg4[%add3A_16, %dma_wait3A_82] : memref<128x16xf32, #tpu.memory_space<hbm>> -> memref<1x16xf32, #tpu.memory_space<hbm>>
        %dma_wait3A_84 = tpu.memref_squeeze %dma_wait3A_83 : memref<1x16xf32, #tpu.memory_space<hbm>> -> memref<16xf32, #tpu.memory_space<hbm>>
        %dma_wait3A_85 = arith.constant 0 : i32
        %dma_wait3A_86 = tpu.memref_slice %arg4[%add3A_16, %dma_wait3A_85] : memref<128x16xf32, #tpu.memory_space<hbm>> -> memref<1x16xf32, #tpu.memory_space<hbm>>
        %dma_wait3A_87 = tpu.memref_squeeze %dma_wait3A_86 : memref<1x16xf32, #tpu.memory_space<hbm>> -> memref<16xf32, #tpu.memory_space<hbm>>
        tpu.wait_dma2 semaphore(%run_scoped3A : memref<!tpu.dma_semaphore, #tpu.memory_space<semaphore_mem>>) src(%arg8 : memref<16xf32, #tpu.memory_space<vmem>>) dst(%dma_wait3A_87 : memref<16xf32, #tpu.memory_space<hbm>>)
        tpu.yield
      }) : () -> ()
    }
    %scan3A_12 = arith.constant 4 : i32
    return
  }
}

</mosaic_0001>

<sc_bundles>
// kernel: _closest.3.cloned.1.call-start
scs
__scs_entry_jumppad:
0x0: {  	(pc) =	sbr.rel $0x88, $3  }
0x1: {  	(tag) =	ssettag $0x0;
	lr =	simm.s32 $0x1  }
0x2: {  	[smem:$0x3F9F] =	sst lr;
	_ =	strace $0xD0000000  }
0x3: {  	_ = 	snop  }
0x4: {  	_ = 	snop  }
0x5: {  	_ = 	snop  }
0x6: {  	_ = 	snop  }
0x7: {  	_ = 	snop  }
__scs_overlays_trampoline_lowered:
0x8: {  	[smem:$0x3FAE] =	sst s0  }
0x9: {  	[smem:$0x3FAF] =	sst s1  }
0xa: {  	[smem:$0x3FB0] =	sst s2  }
0xb: {  	[smem:$0x3FB1] =	sst s3  }
0xc: {  	[smem:$0x3FB2] =	sst s4  }
0xd: {  	[smem:$0x3FB3] =	sst s5  }
0xe: {  	[smem:$0x3FB4] =	sst s6  }
0xf: {  	[smem:$0x3FB5] =	sst s7  }
0x10: {  	[smem:$0x3FB6] =	sst s8  }
0x11: {  	[smem:$0x3FB7] =	sst s9;
	s0 =	simm.s32 @!p0 $0x0  }
0x12: {  	s1 =	sld [smem:$0x3F9D];
	s0 =	simm.s32 @p0 $0x1  }
0x13: {  	[smem:$0x3FB8] =	sst s0;
	s0 =	simm.s32 @!p1 $0x0  }
0x14: {  	s2 =	sld [smem:$0x3F9C];
	s0 =	simm.s32 @p1 $0x1  }
0x15: {  	[smem:$0x3FB9] =	sst s0;
	s0 =	simm.s32 @!p2 $0x0  }
0x16: {  	s3 =	sld [smem:$0x3FDB];
	s0 =	simm.s32 @p2 $0x1  }
0x17: {  	s4 =	simm.s32 $0x1BF5;
	[smem:$0x3FBB] =	sst s0  }
0x18: {  	s0 =	sld [smem:$0x3F9E];
	_ =	swait.ge [sflag:s4], $0x0  }
0x19: {  	s7 =	sld [smem:$0x3F9F]  }
0x1a: {  	s8 =	sadd.s32 $0xFFFFE003, lr  }
0x1b: {  	s9 =	sadd.s32 $0xFFFFFEF7, lr;
	s5 =	simm.s32 $0xFFFFFFFF;
	p2 =	slt.u32 s8, $0xFFFFF086  }
0x1c: {  	p1 =	slt.u32 s9, $0xF7A;
	s5 =	simm.s32 @!p2 $0x0  }
0x1d: {  	s5 =	simm.s32 @p1 $0x1;
	p0 =	seq.s32 s7, s2  }
0x1e: {  	s7 =	smul.u32 @!p0 $0xF7A, s2;
	p2 =	seq.s32 @!p0 s5, $0x0  }
0x1f: {  	s9 =	smul.u32 $0xF7A, s1;
	s8 =	simm.s32 @!p0 $0x1BF5;
	p2 =	por !p2, p0  }
0x20: {  	[sflag:s8] =	ssyncset.s32 @!p0 $0xFFFFF086;
	s6 =	sadd.s32 @!p0 s3, s7;
	s7 =	simm.s32 @!p0 $0x108  }
0x21: {  	s3 =	sadd.s32 s3, s9;
	s6 =	sadd.s32 @!p0 $0x88, s6;
	s7 =	simm.s32 @p2 $0x1082  }
0x22: {  	[simem:s7], [sflag:s8] =	dma.local @!p0 [hbm:s6], $0xF7A  }
0x23: {  	s9 =	sor.u32 $0xD0000000, s2;
	s6 =	simm.s32 $0x108;
	_ =	swait.ge @!p0 [sflag:s8], $0x0  }
0x24: {  	s3 =	sadd.s32 $0x88, s3;
	s6 =	simm.s32 @!p1 $0x1082;
	[sflag:s4] =	ssyncset.s32 $0xFFFFF086  }
0x25: {  	[simem:s6], [sflag:s4] =	dma.local [hbm:s3], $0xF7A  }
0x26: {  	[smem:$0x3F9F] =	sst s1;
	(tag) =	ssettag s2;
	_ =	strace s9  }
0x27: {  	s1 =	sld [smem:$0x3FAF]  }
0x28: {  	s2 =	sld [smem:$0x3FB0]  }
0x29: {  	s4 =	sld [smem:$0x3FB2]  }
0x2a: {  	p0 =	seq.s32 s5, $0x0;
	s5 =	sld [smem:$0x3FB3]  }
0x2b: {  	s6 =	sld [smem:$0x3FB4]  }
0x2c: {  	s7 =	sld [smem:$0x3FB5]  }
0x2d: {  	s3 =	simm.s32 $0x108;
	s8 =	sld [smem:$0x3FB6]  }
0x2e: {  	s3 =	simm.s32 @!p0 $0x1082;
	s9 =	sld [smem:$0x3FB7]  }
0x2f: {  	lr =	sadd.s32 s0, s3;
	s0 =	sld [smem:$0x3FAE]  }
0x30: {  	s3 =	sld [smem:$0x3FB1]  }
0x31: {  	[smem:$0x3FBA] =	sst s10  }
0x32: {  	s10 =	sld [smem:$0x3FB8];
	_ =	sdelay $0x3  }
0x33: {  	p0 =	seq.s32 s10, $0x1;
	s10 =	sld [smem:$0x3FBA];
	_ =	sdelay $0x3  }
0x34: {  	[smem:$0x3FBA] =	sst s10  }
0x35: {  	s10 =	sld [smem:$0x3FB9];
	_ =	sdelay $0x3  }
0x36: {  	p1 =	seq.s32 s10, $0x1;
	s10 =	sld [smem:$0x3FBA];
	_ =	sdelay $0x3  }
0x37: {  	[smem:$0x3FBA] =	sst s10  }
0x38: {  	s10 =	sld [smem:$0x3FBB]  }
0x39: {  	_ = 	snop;
	(pc) =	sbr.ind lr, $3  }
0x3a: {  	_ = 	snop  }
0x3b: {  	_ = 	snop  }
0x3c: {  	p2 =	seq.s32 s10, $0x1;
	s10 =	sld [smem:$0x3FBA]  }
0x3d: {  	_ =	shalt  }
0x3e: {  	_ =	shalt  }
0x3f: {  	_ =	shalt  }
0x40: {  	_ =	shalt  }
0x41: {  	_ =	shalt  }
0x42: {  	_ =	shalt  }
0x43: {  	_ =	shalt  }
0x44: {  	_ =	shalt  }
0x45: {  	_ =	shalt  }
0x46: {  	_ =	shalt  }
0x47: {  	_ =	shalt  }
0x48: {  	_ =	shalt  }
0x49: {  	_ =	shalt  }
0x4a: {  	_ =	shalt  }
0x4b: {  	_ =	shalt  }
0x4c: {  	_ =	shalt  }
0x4d: {  	_ =	shalt  }
0x4e: {  	_ =	shalt  }
0x4f: {  	_ =	shalt  }
0x50: {  	_ =	shalt  }
0x51: {  	_ =	shalt  }
0x52: {  	_ =	shalt  }
0x53: {  	_ =	shalt  }
0x54: {  	_ =	shalt  }
0x55: {  	_ =	shalt  }
0x56: {  	_ =	shalt  }
0x57: {  	_ =	shalt  }
0x58: {  	_ =	shalt  }
0x59: {  	_ =	shalt  }
0x5a: {  	_ =	shalt  }
0x5b: {  	_ =	shalt  }
0x5c: {  	_ =	shalt  }
0x5d: {  	_ =	shalt  }
0x5e: {  	_ =	shalt  }
0x5f: {  	_ =	shalt  }
0x60: {  	_ =	shalt  }
0x61: {  	_ =	shalt  }
0x62: {  	_ =	shalt  }
0x63: {  	_ =	shalt  }
0x64: {  	_ =	shalt  }
0x65: {  	_ =	shalt  }
0x66: {  	_ =	shalt  }
0x67: {  	_ =	shalt  }
0x68: {  	_ =	shalt  }
0x69: {  	_ =	shalt  }
0x6a: {  	_ =	shalt  }
0x6b: {  	_ =	shalt  }
0x6c: {  	_ =	shalt  }
0x6d: {  	_ =	shalt  }
0x6e: {  	_ =	shalt  }
0x6f: {  	_ =	shalt  }
0x70: {  	_ =	shalt  }
0x71: {  	_ =	shalt  }
0x72: {  	_ =	shalt  }
0x73: {  	_ =	shalt  }
0x74: {  	_ =	shalt  }
0x75: {  	_ =	shalt  }
0x76: {  	_ =	shalt  }
0x77: {  	_ =	shalt  }
0x78: {  	_ =	shalt  }
0x79: {  	_ =	shalt  }
0x7a: {  	_ =	shalt  }
0x7b: {  	_ =	shalt  }
0x7c: {  	_ =	shalt  }
0x7d: {  	_ =	shalt  }
0x7e: {  	_ =	shalt  }
0x7f: {  	_ =	shalt  }
0x80: {  	_ =	shalt  }
0x81: {  	_ =	shalt  }
0x82: {  	_ =	shalt  }
0x83: {  	_ =	shalt  }
0x84: {  	_ =	shalt  }
0x85: {  	_ =	shalt  }
0x86: {  	_ =	shalt  }
0x87: {  	_ =	shalt  }
.Lfunc_end0:
.L_simem_size_0:
called_computation_lowered:
.L_overlay_start_0:
0x88: {  	s2 =	sld [smem:$0x3FD9]  }
0x89: {  	s3 =	sld [smem:$0x3FFE];
	_ =	sdelay $0x1  }
0x8a: {  	s1 =	srdreg.scid  }
0x8b: {  	s0 =	sand.u32 $0x1, s1  }
0x8c: {  	s17 =	sshll.u32 s0, $0xA;
	s2 =	sadd.s32 s3, s2  }
0x8d: {  	s2 =	sadd.s32 s2, s17  }
0x8e: {  	[smem:$0x3FC6] =	sst s2  }
0x8f: {  	_ = 	snop  }
0x90: {  	s2 =	sld [smem:$0x3FC9]  }
0x91: {  	s18 =	sld [smem:$0x3FC8];
	(tm) =	ssettm $0x1  }
0x92: {  	s4 =	sld [smem:$0x3FFB];
	_ =	sdelay $0x3  }
0x93: {  	_ =	strace s4  }
0x94: {  	s4 =	sld [smem:$0x3FFC];
	_ =	sdelay $0x3  }
0x95: {  	_ =	strace s4  }
0x96: {  	s4 =	sld [smem:$0x3FFD];
	_ =	sdelay $0x3  }
0x97: {  	_ =	strace s4  }
0x98: {  	_ =	strace $0x8FFFFFFF  }
0x99: {  	s19 =	sld [smem:$0x3FDB];
	_ =	sdelay $0x1  }
0x9a: {  	s5 =	simm.s32 $_scs_section_size  }
0x9b: {  	s6 =	simm.s32 $_size__tile_overlayer_lowered;
	s7 =	simm.s32 $_tile_overlayer_lowered  }
0x9c: {  	s22 =	simm.s32 $0x1BFF;
	s21 =	sshll.u32 s7, $0x1;
	s4 =	sadd.s32 s5, s19  }
0x9d: {  	s8 =	simm.s32 $0x0;
	s20 =	sshll.u32 s6, $0x1;
	s6 =	sadd.s32 s21, s4  }
0x9e: {  	[timem:s8], [sflag:s22] =	dma.local [hbm:s6], s20  }
0x9f: {  	_ =	swait.ge [sflag:s22], s20  }
0xa0: {  	s5 =	ssub.s32 $0x0, s20;
	[sflag:s22] =	ssyncset.done $0x0  }
0xa1: {  	[sflag:s22] =	ssyncadd.s32 s5;
	_ =	sdelay $0x1  }
0xa2: {  	s23 =	simm.s32 $0x1B8B  }
0xa3: {  	_ =	swait.ge [sflag:s23], $0x1  }
0xa4: {  	[sflag:s23] =	ssyncset.done $0x0  }
0xa5: {  	s25 =	simm.s32 $0x1B8E;
	s24 =	sld [smem:$0x3FFE];
	[sflag:s23] =	ssyncadd.s32 $0xFFFFFFFF  }
0xa6: {  	s26 =	simm.s32 $execute0_lowered;
	[smem:$0x3FD2] =	sst s25  }
0xa7: {  	s6 =	sshll.u32 s26, $0x1;
	_ =	strace $0x80000046;
	[dreg:$0x1] =	wrdreg $0xFFFFFFFF  }
0xa8: {  	s28 =	simm.s32 $_size_execute0_lowered;
	s4 =	sadd.s32 s4, s6;
	[dreg:$0x0] =	wrdreg $0x0  }
0xa9: {  	s6 =	sshll.u32 s28, $0x1;
	[dreg:$0x2] =	wrdreg s4  }
0xaa: {  	[dreg:$0x3] =	wrdreg s6  }
0xab: {  	[dreg:$0x4] =	wrdreg $0xC0  }
0xac: {  	_ =	task [dreg:s8], $0x5FFFF  }
0xad: {  	[dreg:$0x1] =	wrdreg $0xFFFFFFFF  }
0xae: {  	[dreg:$0x0] =	wrdreg $0x60  }
0xaf: {  	[dreg:$0x2] =	wrdreg s2  }
0xb0: {  	[dreg:$0x3] =	wrdreg s18  }
0xb1: {  	[dreg:$0x4] =	wrdreg s24  }
0xb2: {  	[dreg:$0x5] =	wrdreg $0x9  }
0xb3: {  	_ =	task.clear_ibuf [dreg:s8], $0x6FFFF;
	_ =	strace $0x90000046  }
0xb4: {  	s29 =	simm.s32 $0x9;
	_ =	strace $0x80000048  }
0xb5: {  	_ =	swait.ge [sflag:s29], $0x1  }
0xb6: {  	[sflag:s29] =	ssyncadd.s32 $0xFFFFFFFF  }
0xb7: {  	_ =	strace $0x90000048  }
0xb8: {  	_ =	sfence  }
0xb9: {  	s30 =	sld [smem:$0x0];
	_ =	sdelay $0x2  }
0xba: {  	s31 =	sshll.u32 s1, $0xD;
	s1 =	sshrl.u32 s1, $0x2  }
0xbb: {  	s3 =	sand.u32 $0x4000, s31;
	s1 =	sadd.s32 s1, s30  }
0xbc: {  	s0 =	sor.u32 s3, s0;
	s1 =	sshll.u32 s1, $0x11  }
0xbd: {  	s0 =	sor.u32 s1, s0  }
0xbe: {  	s0 =	sadd.s32 $0x8F2B, s0  }
0xbf: {  	[sflag:s0] =	ssyncadd.remote.s32 $0x1  }
0xc0: {  	_ =	sfence.sel $0xFFFF  }
0xc1: {  	[dreg:$0x0] =	wrdreg $0xFFFFFFFF;
	(pc) =	sbr.abs _section_cstart, $3  }
0xc2: {  	[dreg:$0x1] =	wrdreg $0xFFFFFFFF  }
0xc3: {  	_ =	task.clear_ibuf [dreg:s8], $0x2FFFF;
	_ =	strace $0x9FFFFFFF  }
0xc4: {  	(tm) =	ssettm $0x7FFFFFFF  }
0xc5: {  	_ =	shalt  }
tec
execute0_lowered:
.L_overlay_start_1:
0x0: {  	(tag) =	ssettag $0x1  }
0x1: {  	s1 =	rddreg [dreg:$0x0]  }
0x2: {  	s2 =	rddreg [dreg:$0x1]  }
0x3: {  	s4 =	rddreg [dreg:$0x2]  }
0x4: {  	s0 =	rddreg [dreg:$0x3]  }
0x5: {  	s3 =	simm.s32 $0x0;
	s5 =	srdreg.scid;
	s12 =	simm.s32 $0x8000  }
0x6: {  	s13 =	simm.s32 $0x3;
	s14 =	simm.s32 $0x80;
	s15 =	simm.s32 $0x400  }
0x7: {  	s16 =	simm.s32 $0x4000;
	s17 =	simm.s32 $0x1;
	s18 =	simm.s32 $0x2  }
0x8: {  	s19 =	simm.s32 $0x8080;
	s20 =	simm.s32 $0x0;
	[smem:$0x7FF] =	sst s3  }
0x9: {  	s6 =	sand.u32 $0x1, s5;
	s5 =	sadd.s32 $0x400, s4;
	s4 =	stileid.u32  }
0xa: {  	_ =	strace $0x80000047;
	s7 =	ssub.s32 $0x2, s6;
	s30 =	sshll.u32 s4, $0x3  }
0xb: {  	s31 =	sshll.u32 s6, $0x6;
	s6 =	sshll.u32 s6, $0x2;
	s8 =	sshrl.u32 s7, $0x1  }
0xc: {  	s9 =	sshll.u32 s4, $0xF;
	s11 =	ssub.s32 s7, s8;
	s8 =	sadd.s32 s1, s31  }
0xd: {  	s10 =	sshll.u32 s4, $0xA;
	s6 =	sor.u32 s6, s30;
	s7 =	sadd.s32 s9, s8  }
0xe: {  	s8 =	sshll.u32 s4, $0x12;
	s9 =	sadd.s32 $0x4000, s1;
	s11 =	smax.u32 s11, $0x1  }
.LBB2_1:
0xf: {  	[tilespmem:s12], [sflag:$0x3] =	stream.linear.gather [hbm4b:s2+s3], $0x80, $0x38;
	[tilespmem:$0x8100] =	vst v63  }
0x10: {  	_ =	swait.ge [sflag:s13], $0x80  }
0x11: {  	[sflag:s13] =	ssyncset.done $0x0  }
0x12: {  	s21 =	simm.s32 $0x0;
	[sflag:s13] =	ssyncadd.s32 $0xFFFFFF80  }
0x13: {  	[tilespmem:s3], [sflag:$0x1] =	stream.strided.gather [hbm4b:s7+s14], $0x4000, s15, s14, $0x38;
	[tilespmem:$0x8100] =	vst v63  }
.LBB2_2:
0x14: {  	s23 =	sadd.s32 s6, s21  }
0x15: {  	v0 =	vmov s23;
	s22 =	sshll.u32 s23, $0x7  }
0x16: {  	s22 =	sand.u32 $0x380, s22  }
0x17: {  	s24 =	sor.u32 s8, s22  }
0x18: {  	s24 =	sshrl.u32 s24, $0x3  }
0x19: {  	s24 =	sadd.s32 s24, s9  }
0x1a: {  	v0 =	vld.idx.msk [tilespmem:v0+s12+$0x0], $0xffff;
	[tilespmem:s16], [sflag:$0x2] =	stream.strided.gather [hbm4b:s24+s14], $0x4000, s15, s14, $0x38  }
0x1b: {  	_ =	swait.ge [sflag:s17], $0x4000  }
0x1c: {  	[sflag:s17] =	ssyncset.done $0x0  }
0x1d: {  	s31 =	simm.s32 $0x0;
	[sflag:s17] =	ssyncadd.s32 $0xFFFFC000  }
0x1e: {  	v2 =	vld [tilespmem:s31+$0x0]  }
0x1f: {  	v1 =	vld [tilespmem:s31+$0x10]  }
0x20: {  	v3 =	vld [tilespmem:s31+$0x20]  }
0x21: {  	v5 =	vld [tilespmem:s31+$0x30]  }
0x22: {  	v12 =	vimm.f32 $3.399999950e+38;
	v4 =	vimm.f32 $0.0e+00;
	v25 =	vld [tilespmem:s31+$0x40]  }
0x23: {  	v20 =	vimm.f32 $3.399999950e+38;
	v19 =	vimm.f32 $3.399999950e+38;
	v17 =	vimm.f32 $3.399999950e+38;
	v26 =	vld [tilespmem:s31+$0x50]  }
0x24: {  	v18 =	vimm.f32 $3.399999950e+38;
	v7 =	vimm.f32 $3.399999950e+38;
	v13 =	vimm.f32 $3.399999950e+38;
	v27 =	vld [tilespmem:s31+$0x60]  }
0x25: {  	v8 =	vimm.f32 $3.399999950e+38;
	v9 =	vimm.f32 $0.0e+00;
	v14 =	vimm.f32 $0.0e+00;
	v28 =	vld [tilespmem:s31+$0x70]  }
0x26: {  	v10 =	vimm.f32 $0.0e+00;
	v11 =	vimm.f32 $0.0e+00;
	v16 =	vimm.f32 $0.0e+00  }
0x27: {  	v15 =	vimm.f32 $0.0e+00;
	v21 =	vsub.f32 v2, v0;
	v22 =	vsub.f32 v1, v0  }
0x28: {  	v6 =	vimm.f32 $0.0e+00;
	s24 =	simm.s32 $0x200;
	v24 =	vsub.f32 v3, v0;
	v23 =	vsub.f32 v5, v0  }
.LBB2_3:
0x29: {  	p0 =	sne.s32 s24, $0xFE00;
	v29 =	vsub.f32 v25, v0;
	v30 =	vsub.f32 v26, v0;
	v31 =	vmovc v25;
	v32 =	vmovc v26;
	v33 =	vmov v27  }
0x2a: {  	v25 =	vsub.f32 v33, v0;
	v26 =	vsub.f32 v28, v0;
	v34 =	vmov v28  }
0x2b: {  	s25 =	sshra.s32 s24, $0x2;
	v21 =	vand.u32 $0x7FFFFFFF, v21;
	v22 =	vand.u32 $0x7FFFFFFF, v22;
	v24 =	vand.u32 $0x7FFFFFFF, v24  }
0x2c: {  	v23 =	vand.u32 $0x7FFFFFFF, v23;
	v27 =	vand.u32 $0x7FFFFFFF, v29;
	v28 =	vand.u32 $0x7FFFFFFF, v30;
	v35 =	vld [tilespmem:s25+$0x0]  }
0x2d: {  	vm0 =	vlt.f32 v21, v12;
	vm1 =	vlt.f32 v22, v20;
	v30 =	vand.u32 $0x7FFFFFFF, v25;
	v29 =	vld [tilespmem:s25+$0x10]  }
0x2e: {  	v12 =	vsel vm0, v21, v12;
	v20 =	vsel vm1, v22, v20;
	v21 =	vand.u32 $0x7FFFFFFF, v26;
	v36 =	vld [tilespmem:s25+$0x20]  }
0x2f: {  	vm2 =	vlt.f32 v24, v19;
	vm3 =	vlt.f32 v23, v17;
	vm4 =	vlt.f32 v27, v18;
	v37 =	vld [tilespmem:s25+$0x30]  }
0x30: {  	v19 =	vsel vm2, v24, v19;
	v17 =	vsel vm3, v23, v17;
	v18 =	vsel vm4, v27, v18;
	v25 =	vld [tilespmem:s25+$0x40]  }
0x31: {  	vm5 =	vlt.f32 v28, v7;
	vm6 =	vlt.f32 v30, v13;
	vm7 =	vlt.f32 v21, v8;
	v26 =	vld [tilespmem:s25+$0x50]  }
.Ltmp0:
0x32: {  	v7 =	vsel vm5, v28, v7;
	v13 =	vsel vm6, v30, v13;
	v8 =	vsel vm7, v21, v8;
	v27 =	vld [tilespmem:s25+$0x60];
	(pc) =	sbr.rel @p0 .LBB2_3-.Ltmp0, $4  }
0x33: {  	v4 =	vsel vm0, v2, v4;
	v9 =	vsel vm1, v1, v9;
	v14 =	vsel vm2, v3, v14;
	v2 =	vmovc v35;
	v28 =	vld [tilespmem:s25+$0x70]  }
0x34: {  	v10 =	vsel vm3, v5, v10;
	v11 =	vsel vm4, v31, v11;
	v16 =	vsel vm5, v32, v16;
	v1 =	vmovc v29  }
0x35: {  	v15 =	vsel vm6, v33, v15;
	v21 =	vsub.f32 v2, v0;
	v22 =	vsub.f32 v1, v0;
	v3 =	vmovc v36  }
0x36: {  	s24 =	sadd.s32 $0x200, s24;
	v6 =	vsel vm7, v34, v6;
	v24 =	vsub.f32 v3, v0;
	v23 =	vsub.f32 v37, v0;
	v5 =	vmovc v37  }
0x37: {  	p0 =	seq.s32 s21, $0x3  }
0x38: {  	s23 =	sadd.s32 @!p0 $0x1, s23  }
0x39: {  	s24 =	sshll.u32 @!p0 s23, $0x4  }
0x3a: {  	s23 =	sshll.u32 @!p0 s23, $0xC;
	s24 =	sand.u32 @!p0 $0x70, s24  }
0x3b: {  	s25 =	simm.s32 @!p0 $0x400;
	s23 =	sand.u32 @!p0 $0xFFF8000, s23;
	s24 =	sadd.s32 @!p0 s1, s24  }
0x3c: {  	s26 =	simm.s32 @!p0 $0x0;
	s23 =	sadd.s32 @!p0 s23, s24;
	s24 =	simm.s32 @!p0 $0x80  }
0x3d: {  	[tilespmem:s26], [sflag:$0x1] =	stream.strided.gather @!p0 [hbm4b:s23+s24], $0x4000, s25, s24, $0x38;
	[tilespmem:$0x8100] =	vst v63  }
0x3e: {  	v29 =	vsub.f32 v25, v0;
	v30 =	vsub.f32 v26, v0;
	_ =	swait.ge [sflag:s18], $0x4000  }
0x3f: {  	v31 =	vsub.f32 v27, v0;
	v21 =	vand.u32 $0x7FFFFFFF, v21;
	v22 =	vand.u32 $0x7FFFFFFF, v22;
	[sflag:s18] =	ssyncset.done $0x0  }
0x40: {  	s31 =	simm.s32 $0x0;
	v24 =	vand.u32 $0x7FFFFFFF, v24;
	v23 =	vand.u32 $0x7FFFFFFF, v23;
	vm0 =	vlt.f32 v21, v12;
	[sflag:s18] =	ssyncadd.s32 $0xFFFFC000  }
0x41: {  	vm1 =	vlt.f32 v22, v20;
	v21 =	vsel vm0, v21, v12;
	vm2 =	vlt.f32 v24, v19;
	v12 =	vld [tilespmem:s31+$0x4000]  }
0x42: {  	v20 =	vsel vm1, v22, v20;
	vm3 =	vlt.f32 v23, v17;
	v22 =	vsel vm2, v24, v19;
	v19 =	vld [tilespmem:s31+$0x4010]  }
0x43: {  	v30 =	vand.u32 $0x7FFFFFFF, v30;
	v31 =	vand.u32 $0x7FFFFFFF, v31;
	v17 =	vsel vm3, v23, v17;
	v23 =	vld [tilespmem:s31+$0x4020]  }
0x44: {  	v29 =	vand.u32 $0x7FFFFFFF, v29;
	vm5 =	vlt.f32 v30, v7;
	vm15 =	vlt.f32 v31, v13;
	v24 =	vld [tilespmem:s31+$0x4030]  }
0x45: {  	v2 =	vsel vm0, v2, v4;
	v4 =	vsel vm5, v30, v7;
	v7 =	vsel vm15, v31, v13;
	v13 =	vld [tilespmem:s31+$0x4040]  }
0x46: {  	v32 =	vsub.f32 v28, v0;
	vm4 =	vlt.f32 v29, v18;
	v3 =	vsel vm2, v3, v14;
	v14 =	vld [tilespmem:s31+$0x4050]  }
0x47: {  	v1 =	vsel vm1, v1, v9;
	v9 =	vsel vm4, v25, v11;
	v11 =	vsel vm15, v27, v15;
	v15 =	vld [tilespmem:s31+$0x4060]  }
0x48: {  	v32 =	vand.u32 $0x7FFFFFFF, v32;
	v5 =	vsel vm3, v5, v10;
	v10 =	vsel vm5, v26, v16;
	v16 =	vld [tilespmem:s31+$0x4070]  }
0x49: {  	v18 =	vsel vm4, v29, v18;
	vm6 =	vlt.f32 v32, v8  }
0x4a: {  	v8 =	vsel vm6, v32, v8;
	v25 =	vsub.f32 v12, v0;
	v26 =	vsub.f32 v19, v0  }
0x4b: {  	v6 =	vsel vm6, v28, v6;
	s23 =	simm.s32 $0x200;
	v28 =	vsub.f32 v23, v0;
	v27 =	vsub.f32 v24, v0  }
.LBB2_5:
0x4c: {  	p0 =	sne.s32 s23, $0xFE00;
	v29 =	vsub.f32 v13, v0;
	v30 =	vsub.f32 v14, v0;
	v31 =	vmovc v13;
	v32 =	vmovc v14;
	v33 =	vmov v15  }
0x4d: {  	v13 =	vsub.f32 v33, v0;
	v14 =	vsub.f32 v16, v0;
	v34 =	vmov v16  }
0x4e: {  	s24 =	sshra.s32 s23, $0x2;
	v15 =	vand.u32 $0x7FFFFFFF, v25;
	v16 =	vand.u32 $0x7FFFFFFF, v26;
	v25 =	vand.u32 $0x7FFFFFFF, v28  }
0x4f: {  	v27 =	vand.u32 $0x7FFFFFFF, v27;
	v28 =	vand.u32 $0x7FFFFFFF, v29;
	v29 =	vand.u32 $0x7FFFFFFF, v30;
	v26 =	vld [tilespmem:s24+$0x4000]  }
0x50: {  	vm0 =	vlt.f32 v15, v21;
	vm1 =	vlt.f32 v16, v20;
	v35 =	vand.u32 $0x7FFFFFFF, v13;
	v30 =	vld [tilespmem:s24+$0x4010]  }
0x51: {  	v21 =	vsel vm0, v15, v21;
	v20 =	vsel vm1, v16, v20;
	v16 =	vand.u32 $0x7FFFFFFF, v14;
	v36 =	vld [tilespmem:s24+$0x4020]  }
0x52: {  	vm2 =	vlt.f32 v25, v22;
	vm3 =	vlt.f32 v27, v17;
	vm4 =	vlt.f32 v28, v18;
	v37 =	vld [tilespmem:s24+$0x4030]  }
0x53: {  	v22 =	vsel vm2, v25, v22;
	v17 =	vsel vm3, v27, v17;
	v18 =	vsel vm4, v28, v18;
	v13 =	vld [tilespmem:s24+$0x4040]  }
0x54: {  	vm5 =	vlt.f32 v29, v4;
	vm6 =	vlt.f32 v35, v7;
	vm7 =	vlt.f32 v16, v8;
	v14 =	vld [tilespmem:s24+$0x4050]  }
.Ltmp1:
0x55: {  	v4 =	vsel vm5, v29, v4;
	v7 =	vsel vm6, v35, v7;
	v8 =	vsel vm7, v16, v8;
	v15 =	vld [tilespmem:s24+$0x4060];
	(pc) =	sbr.rel @p0 .LBB2_5-.Ltmp1, $4  }
0x56: {  	v2 =	vsel vm0, v12, v2;
	v1 =	vsel vm1, v19, v1;
	v3 =	vsel vm2, v23, v3;
	v12 =	vmovc v26;
	v16 =	vld [tilespmem:s24+$0x4070]  }
0x57: {  	v5 =	vsel vm3, v24, v5;
	v9 =	vsel vm4, v31, v9;
	v10 =	vsel vm5, v32, v10;
	v19 =	vmovc v30  }
0x58: {  	v11 =	vsel vm6, v33, v11;
	v25 =	vsub.f32 v12, v0;
	v26 =	vsub.f32 v19, v0;
	v23 =	vmovc v36  }
0x59: {  	s23 =	sadd.s32 $0x200, s23;
	v6 =	vsel vm7, v34, v6;
	v28 =	vsub.f32 v23, v0;
	v27 =	vsub.f32 v37, v0;
	v24 =	vmovc v37  }
0x5a: {  	v29 =	vsub.f32 v13, v0  }
0x5b: {  	v30 =	vsub.f32 v14, v0;
	v31 =	vsub.f32 v15, v0;
	v25 =	vand.u32 $0x7FFFFFFF, v25  }
0x5c: {  	v26 =	vand.u32 $0x7FFFFFFF, v26;
	v58 =	vsub.f32 v16, v0;
	v28 =	vand.u32 $0x7FFFFFFF, v28  }
0x5d: {  	v27 =	vand.u32 $0x7FFFFFFF, v27;
	vm0 =	vlt.f32 v25, v21;
	vm1 =	vlt.f32 v26, v20  }
0x5e: {  	v29 =	vand.u32 $0x7FFFFFFF, v29;
	v30 =	vand.u32 $0x7FFFFFFF, v30;
	v31 =	vand.u32 $0x7FFFFFFF, v31  }
0x5f: {  	v21 =	vsel vm0, v25, v21;
	v20 =	vsel vm1, v26, v20;
	vm2 =	vlt.f32 v28, v22  }
0x60: {  	vm3 =	vlt.f32 v27, v17;
	v2 =	vsel vm0, v12, v2;
	v1 =	vsel vm1, v19, v1  }
0x61: {  	v0 =	vand.u32 $0x7FFFFFFF, v58;
	vm4 =	vlt.f32 v29, v18;
	v22 =	vsel vm2, v28, v22  }
0x62: {  	v17 =	vsel vm3, v27, v17;
	vm5 =	vlt.f32 v30, v4;
	vm6 =	vlt.f32 v31, v7  }
0x63: {  	v3 =	vsel vm2, v23, v3;
	v5 =	vsel vm3, v24, v5;
	v18 =	vsel vm4, v29, v18  }
0x64: {  	vm7 =	vlt.f32 v0, v8;
	v4 =	vsel vm5, v30, v4;
	v7 =	vsel vm6, v31, v7  }
0x65: {  	v59 =	vsel vm4, v13, v9;
	v60 =	vsel vm5, v14, v10;
	v61 =	vsel vm6, v15, v11  }
0x66: {  	v0 =	vsel vm7, v0, v8;
	v6 =	vsel vm7, v16, v6;
	vm9 =	vlt.f32 v18, v21  }
0x67: {  	vm10 =	vlt.f32 v4, v20;
	vm11 =	vlt.f32 v7, v22;
	v62 =	vsel vm9, v18, v21  }
0x68: {  	v2 =	vsel vm9, v59, v2;
	v4 =	vsel vm10, v4, v20;
	vm12 =	vlt.f32 v0, v17  }
0x69: {  	v1 =	vsel vm10, v60, v1;
	v7 =	vsel vm11, v7, v22;
	v0 =	vsel vm12, v0, v17  }
0x6a: {  	v3 =	vsel vm11, v61, v3;
	vm13 =	vlt.f32 v7, v62;
	vm14 =	vlt.f32 v0, v4  }
0x6b: {  	v5 =	vsel vm12, v6, v5;
	v63 =	vsel vm13, v7, v62;
	v0 =	vsel vm14, v0, v4  }
0x6c: {  	v2 =	vsel vm13, v3, v2;
	v1 =	vsel vm14, v5, v1;
	vm15 =	vlt.f32 v0, v63  }
0x6d: {  	v0 =	vsel vm15, v0, v63;
	v1 =	vsel vm15, v1, v2  }
0x6e: {  	(xrf1) =	vsort.ascd.msk.f32 $0xffff, v0, v1;
	_ =	sdelay $0xc  }
0x6f: {  	s22 =	sor.u32 s10, s22;
	s21 =	sadd.s32 $0x1, s21  }
0x70: {  	s22 =	sshrl.u32 s22, $0x3;
	p0 =	sne.s32 s21, $0x4;
	_, v0, _ =	vpop (xrf1)  }
.Ltmp2:
0x71: {  	s22 =	sadd.s32 s5, s22;
	[tilespmem:$0x8080] =	vst v0;
	(pc) =	sbr.rel @p0 .LBB2_2-.Ltmp2, $4  }
0x72: {  	[hbm4b:s22+s3] =	stream.linear.scatter [tilespmem:s19], [sflag:$0x3], $0x80, $0x38;
	[tilespmem:$0x8100] =	vst v63  }
0x73: {  	_ =	swait.ge [sflag:s13], $0x80  }
0x74: {  	[sflag:s13] =	ssyncset.done $0x0  }
0x75: {  	[sflag:s13] =	ssyncadd.s32 $0xFFFFFF80  }
0x76: {  	s20 =	sadd.s32 $0x1, s20  }
0x77: {  	p0 =	sne.s32 s20, s11  }
.Ltmp3:
0x78: {  	_ = 	snop;
	(pc) =	sbr.rel @p0 .LBB2_1-.Ltmp3, $1  }
0x79: {  	_ =	sdelay $0x3  }
0x7a: {  	_ =	sfence.sel $0x180000  }
0x7b: {  	[bflag:$0x0] =	sbarrier.arrive $0xFFFF  }
0x7c: {  	p0 =	sne.s32 s4, $0x0;
	_ =	strace $0x90000047  }
0x7d: {  	s0 =	sadd.s32 @!p0 $0x100000, s0;
	[bflag:$0x2] =	sbarrier.arrive $0xFFFF  }
0x7e: {  	[sflag:s0] =	ssyncadd.tile.s32 @!p0 $0x1;
	_ =	shalt  }
.Lfunc_end2:
_tile_overlayer_lowered:
.L_overlay_start_2:
0x7f: {  	(tag) =	ssettag $0x2  }
0x80: {  	s0 =	rddreg [dreg:$0x0];
	s2 =	stileid.u32  }
0x81: {  	s1 =	rddreg [dreg:$0x1];
	p0 =	sne.s32 s2, $0x0  }
0x82: {  	s3 =	rddreg [dreg:$0x2];
	[bflag:$0x3] =	sbarrier.arrive $0xFFFF;
	s2 =	simm.s32 @!p0 $0x1C03  }
0x83: {  	[timem:s3], [sflag:s2] =	dma.local @!p0 [hbm:s0], s1  }
0x84: {  	s0 =	simm.s32 @!p0 $0x3  }
0x85: {  	_ =	swait.ge @!p0 [sflag:s0], s1  }
0x86: {  	s1 =	ssub.s32 @!p0 $0x0, s1;
	[sflag:s0] =	ssyncset.done @!p0 $0x0  }
0x87: {  	[sflag:s0] =	ssyncadd.s32 @!p0 s1  }
0x88: {  	[bflag:$0x3] =	sbarrier.arrive $0xFFFF  }
0x89: {  	_ =	shalt  }

</sc_bundles>
